<compile_context>
chip_gen: v7x
topology: tpu7x:2x2x1
jax: 0.10.2.dev20260603
libtpu: 0.0.44.dev20260713+nightly
codegen_flags: <defaults>
</compile_context>

<pallas_src>
import functools

import jax
import jax.numpy as jnp
from jax import lax
from jax.experimental import pallas as pl
from jax.experimental.pallas import tpu as pltpu
from jax.experimental.pallas import tpu_sc as plsc

_INFO = plsc.get_sparse_core_info()
_NC = _INFO.num_cores
_NS = _INFO.num_subcores
_NW = _NC * _NS
_K = 125


@functools.partial(jax.jit, static_argnums=(0, 1, 2))
def _sc_aggregate(n_pad, n_edges, d, x, eidx3, zeros):
    edges_per_worker = n_edges // _NW
    steps = edges_per_worker // _K
    n_phases = 2
    hs = steps // n_phases
    rows_per_tile = n_pad // _NS

    mesh = plsc.VectorSubcoreMesh(core_axis_name="c", subcore_axis_name="s")

    @functools.partial(
        pl.kernel,
        out_type=jax.ShapeDtypeStruct((_NC * n_pad, d), jnp.float32),
        mesh=mesh,
        scratch_types=[
            pltpu.VMEM((hs, _K), jnp.int32),
            pltpu.VMEM((hs, _K), jnp.int32),
            pltpu.VMEM((_K, d), jnp.float32),
            pltpu.VMEM((_K, d), jnp.float32),
            pltpu.VMEM_SHARED((n_pad, d), jnp.float32),
            pltpu.SemaphoreType.DMA,
            pltpu.SemaphoreType.DMA,
            pltpu.SemaphoreType.DMA,
        ],
    )
    def agg_kernel(x_hbm, eidx_hbm, zeros_hbm, part_hbm,
                   src_v, dst_v, rows_a, rows_b, acc_sh,
                   sem_i, sem_a, sem_b):
        c = lax.axis_index("c")
        s = lax.axis_index("s")
        wid = s * _NC + c
        row0 = wid * steps

        def gather(i, buf, sem):
            return pltpu.async_copy(x_hbm.at[src_v.at[i]], buf, sem)

        def scat(i, buf):
            pltpu.sync_copy(buf, acc_sh.at[dst_v.at[i]], add=True)

        for p in range(n_phases):
            r0 = row0 + p * hs
            cp_src = pltpu.async_copy(eidx_hbm.at[0, pl.ds(r0, hs)], src_v,
                                      sem_i)
            cp_dst = pltpu.async_copy(eidx_hbm.at[1, pl.ds(r0, hs)], dst_v,
                                      sem_i)
            if p == 0:
                pltpu.sync_copy(
                    zeros_hbm,
                    acc_sh.at[pl.ds(s * rows_per_tile, rows_per_tile)])
            cp_src.wait()
            cp_dst.wait()
            if p == 0:
                plsc.subcore_barrier()

            gather(0, rows_a, sem_a)

            def body(j, carry):
                i = 2 * j
                gather(i + 1, rows_b, sem_b)
                pltpu.make_async_copy(x_hbm.at[src_v.at[i]], rows_a,
                                      sem_a).wait()
                scat(i, rows_a)

                @pl.when(j < hs // 2 - 1)
                def _():
                    gather(i + 2, rows_a, sem_a)

                pltpu.make_async_copy(x_hbm.at[src_v.at[i + 1]], rows_b,
                                      sem_b).wait()
                scat(i + 1, rows_b)
                return carry

            lax.fori_loop(0, hs // 2, body, 0)
        plsc.subcore_barrier()

        off = c * n_pad + s * rows_per_tile
        pltpu.sync_copy(acc_sh.at[pl.ds(s * rows_per_tile, rows_per_tile)],
                        part_hbm.at[pl.ds(off, rows_per_tile)])

    return agg_kernel(x, eidx3, zeros)


def _tc_selfloop_body(x_ref, slw_ref, o_ref):
    o_ref[...] = lax.dot_general(
        x_ref[...], slw_ref[...], (((1,), (1,)), ((), ())),
        preferred_element_type=jnp.float32)


def _tc_combine_body(p0_ref, p1_ref, sl_ref, w_ref, o_ref):
    agg = p0_ref[0] + p1_ref[0]
    o_ref[...] = (
        jnp.dot(agg, w_ref[...], preferred_element_type=jnp.float32)
        + sl_ref[...]
    )


def kernel(x, edge_index, edge_type, weight, self_loop_w):
    n_nodes, d = x.shape
    n_edges = edge_index.shape[1]
    n_pad = ((n_nodes + 8 * _NS - 1) // (8 * _NS)) * (8 * _NS)
    eidx3 = edge_index.reshape(2, n_edges // _K, _K)
    zeros = jnp.zeros((n_pad // _NS, d), jnp.float32)

    blk = 2000
    grid = n_nodes // blk

    selfloop = pl.pallas_call(
        _tc_selfloop_body,
        grid=(grid,),
        in_specs=[
            pl.BlockSpec((blk, d), lambda i: (i, 0)),
            pl.BlockSpec((d, d), lambda i: (0, 0)),
        ],
        out_specs=pl.BlockSpec((blk, d), lambda i: (i, 0)),
        out_shape=jax.ShapeDtypeStruct((n_nodes, d), jnp.float32),
    )(x, self_loop_w)

    part = _sc_aggregate(n_pad, n_edges, d, x, eidx3, zeros)
    part3 = part.reshape(_NC, n_pad, d)

    out = pl.pallas_call(
        _tc_combine_body,
        grid=(grid,),
        in_specs=[
            pl.BlockSpec((1, blk, d), lambda i: (0, i, 0)),
            pl.BlockSpec((1, blk, d), lambda i: (1, i, 0)),
            pl.BlockSpec((blk, d), lambda i: (i, 0)),
            pl.BlockSpec((d, d), lambda i: (0, 0)),
        ],
        out_specs=pl.BlockSpec((blk, d), lambda i: (i, 0)),
        out_shape=jax.ShapeDtypeStruct((n_nodes, d), jnp.float32),
    )(part3, part3, selfloop, weight[0])
    return out

# --- scband reference (transcript-rebuilt; emitter-appended) ---
"""Pipeline reference for scband-sheaf-gcnlayer2-79027398246778 (READ-ONLY COPY).

The authoritative reference and input builder live on the scoring server;
editing this copy changes nothing except your own understanding.
"""

import jax, jax.numpy as jnp
import numpy as np

N_NODES = 10000
N_EDGES = 320000
D_IN = 128
D_OUT = 128
NUM_EDGE_TYPES = 1


def _xavier(key, shape):
    fan_in, fan_out = shape[-2], shape[-1]
    limit = float(np.sqrt(6.0 / (fan_in + fan_out)))
    return jax.random.uniform(key, shape, dtype=jnp.float32, minval=-limit, maxval=limit)


def setup_inputs(seed: int = 0) -> dict:
    key = jax.random.key(seed)
    k1, k2, k3, k4, k5 = jax.random.split(key, 5)
    x = jax.random.normal(k1, (N_NODES, D_IN), dtype=jnp.float32)
    edge_index = jax.random.randint(k2, (2, N_EDGES), 0, N_NODES, dtype=jnp.int32)
    edge_type = jax.random.randint(k3, (N_EDGES,), 0, NUM_EDGE_TYPES, dtype=jnp.int32)
    weight = _xavier(k4, (NUM_EDGE_TYPES, D_IN, D_OUT))
    # nn.Linear(in, out, bias=False).weight has shape [out, in]
    self_loop_w = _xavier(k5, (D_OUT, D_IN))
    return {"x": x, "edge_index": edge_index, "edge_type": edge_type,
            "weight": weight, "self_loop_w": self_loop_w}


def reference(x, edge_index, edge_type, weight, self_loop_w):
    num_nodes = x.shape[0]
    src = edge_index[0]
    dst = edge_index[1]
    if NUM_EDGE_TYPES == 1:
        W = weight[0]
        x_transformed = jnp.matmul(x[src], W)
    else:
        We = weight[edge_type]
        x_transformed = jnp.squeeze(jnp.matmul(x[src][:, None, :], We), axis=1)
    out = jax.ops.segment_sum(x_transformed, dst, num_segments=num_nodes)
    out = out + jnp.matmul(x, self_loop_w.T)
    return out

if __name__ == "__main__":
    import jax
    _d = setup_inputs()
    print(jax.jit(kernel)(*tuple(_d.values())))

</pallas_src>

<mosaic_0001>
#map = affine_map<(d0, d1) -> (0, 0)>
#map1 = affine_map<(d0, d1) -> (0, 0, 0)>
module attributes {stable_mosaic.version = 14 : i64} {
  func.func @agg_kernel(%arg0: i32, %arg1: i32, %arg2: memref<10000x128xf32, #tpu.memory_space<hbm>>, %arg3: memref<2x2560x125xi32, #tpu.memory_space<hbm>>, %arg4: memref<632x128xf32, #tpu.memory_space<hbm>>, %arg5: memref<20224x128xf32, #tpu.memory_space<hbm>>, %arg6: memref<40x125xi32, #tpu.memory_space<vmem>>, %arg7: memref<40x125xi32, #tpu.memory_space<vmem>>, %arg8: memref<125x128xf32, #tpu.memory_space<vmem>>, %arg9: memref<125x128xf32, #tpu.memory_space<vmem>>, %arg10: memref<10112x128xf32, #tpu.memory_space<vmem_shared>>, %arg11: memref<!tpu.dma_semaphore, #tpu.memory_space<semaphore_mem>>, %arg12: memref<!tpu.dma_semaphore, #tpu.memory_space<semaphore_mem>>, %arg13: memref<!tpu.dma_semaphore, #tpu.memory_space<semaphore_mem>>) attributes {dimension_semantics = [#tpu.dimension_semantics<core_parallel>, #tpu.dimension_semantics<subcore_parallel>], iteration_bounds = array<i64: 2, 16>, scalar_prefetch = 0 : i64, scratch_operands = 8 : i64, tpu.core_type = #tpu.core_type<sc_vector_subcore>, window_params = [{transform_indices = #map}, {transform_indices = #map1}, {transform_indices = #map}, {transform_indices = #map}]} {
    %mul3A = arith.constant 2 : i32
    %mul3A_0 = arith.muli %arg1, %mul3A : i32
    %add3A = arith.addi %mul3A_0, %arg0 : i32
    %mul3A_1 = arith.constant 80 : i32
    %mul3A_2 = arith.muli %add3A, %mul3A_1 : i32
    %add3A_3 = arith.constant 0 : i32
    %add3A_4 = arith.addi %mul3A_2, %add3A_3 : i32
    %dma_start3A = arith.constant 0 : i32
    %dma_start3A_5 = arith.constant 0 : i32
    %dma_start3A_6 = tpu.memref_slice %arg3[%dma_start3A, %add3A_4, %dma_start3A_5] : memref<2x2560x125xi32, #tpu.memory_space<hbm>> -> memref<1x40x125xi32, #tpu.memory_space<hbm>>
    %dma_start3A_7 = tpu.memref_squeeze %dma_start3A_6 : memref<1x40x125xi32, #tpu.memory_space<hbm>> -> memref<40x125xi32, #tpu.memory_space<hbm>>
    %dma_start3A_8 = arith.constant 0 : i32
    %dma_start3A_9 = tpu.memref_slice %arg3[%dma_start3A, %add3A_4, %dma_start3A_8] : memref<2x2560x125xi32, #tpu.memory_space<hbm>> -> memref<1x40x125xi32, #tpu.memory_space<hbm>>
    %dma_start3A_10 = tpu.memref_squeeze %dma_start3A_9 : memref<1x40x125xi32, #tpu.memory_space<hbm>> -> memref<40x125xi32, #tpu.memory_space<hbm>>
    tpu.enqueue_dma source(%dma_start3A_10 : memref<40x125xi32, #tpu.memory_space<hbm>>) target(%arg6 : memref<40x125xi32, #tpu.memory_space<vmem>>) target_semaphore(%arg11 : memref<!tpu.dma_semaphore, #tpu.memory_space<semaphore_mem>>)
    %dma_start3A_11 = arith.constant 1 : i32
    %dma_start3A_12 = arith.constant 0 : i32
    %dma_start3A_13 = tpu.memref_slice %arg3[%dma_start3A_11, %add3A_4, %dma_start3A_12] : memref<2x2560x125xi32, #tpu.memory_space<hbm>> -> memref<1x40x125xi32, #tpu.memory_space<hbm>>
    %dma_start3A_14 = tpu.memref_squeeze %dma_start3A_13 : memref<1x40x125xi32, #tpu.memory_space<hbm>> -> memref<40x125xi32, #tpu.memory_space<hbm>>
    %dma_start3A_15 = arith.constant 0 : i32
    %dma_start3A_16 = tpu.memref_slice %arg3[%dma_start3A_11, %add3A_4, %dma_start3A_15] : memref<2x2560x125xi32, #tpu.memory_space<hbm>> -> memref<1x40x125xi32, #tpu.memory_space<hbm>>
    %dma_start3A_17 = tpu.memref_squeeze %dma_start3A_16 : memref<1x40x125xi32, #tpu.memory_space<hbm>> -> memref<40x125xi32, #tpu.memory_space<hbm>>
    tpu.enqueue_dma source(%dma_start3A_17 : memref<40x125xi32, #tpu.memory_space<hbm>>) target(%arg7 : memref<40x125xi32, #tpu.memory_space<vmem>>) target_semaphore(%arg11 : memref<!tpu.dma_semaphore, #tpu.memory_space<semaphore_mem>>)
    %mul3A_18 = arith.constant 632 : i32
    %mul3A_19 = arith.muli %arg1, %mul3A_18 : i32
    "tpu.region"() ({
      %run_scoped3A = tpu.sem_alloc : memref<!tpu.dma_semaphore, #tpu.memory_space<semaphore_mem>>
      %dma_start3A_96 = arith.constant 0 : i32
      %dma_start3A_97 = tpu.memref_slice %arg10[%mul3A_19, %dma_start3A_96] : memref<10112x128xf32, #tpu.memory_space<vmem_shared>> -> memref<632x128xf32, #tpu.memory_space<vmem_shared>>
      tpu.enqueue_dma source(%arg4 : memref<632x128xf32, #tpu.memory_space<hbm>>) target(%dma_start3A_97 : memref<632x128xf32, #tpu.memory_space<vmem_shared>>) target_semaphore(%run_scoped3A : memref<!tpu.dma_semaphore, #tpu.memory_space<semaphore_mem>>)
      %dma_wait3A_98 = arith.constant 0 : i32
      %dma_wait3A_99 = tpu.memref_slice %arg10[%mul3A_19, %dma_wait3A_98] : memref<10112x128xf32, #tpu.memory_space<vmem_shared>> -> memref<632x128xf32, #tpu.memory_space<vmem_shared>>
      tpu.wait_dma2 semaphore(%run_scoped3A : memref<!tpu.dma_semaphore, #tpu.memory_space<semaphore_mem>>) src(%arg4 : memref<632x128xf32, #tpu.memory_space<hbm>>) dst(%dma_wait3A_99 : memref<632x128xf32, #tpu.memory_space<vmem_shared>>)
      tpu.yield
    }) : () -> ()
    %dma_wait3A = arith.constant 0 : i32
    %dma_wait3A_20 = arith.constant 0 : i32
    %dma_wait3A_21 = tpu.memref_slice %arg3[%dma_wait3A, %add3A_4, %dma_wait3A_20] : memref<2x2560x125xi32, #tpu.memory_space<hbm>> -> memref<1x40x125xi32, #tpu.memory_space<hbm>>
    %dma_wait3A_22 = tpu.memref_squeeze %dma_wait3A_21 : memref<1x40x125xi32, #tpu.memory_space<hbm>> -> memref<40x125xi32, #tpu.memory_space<hbm>>
    %dma_wait3A_23 = arith.constant 0 : i32
    %dma_wait3A_24 = tpu.memref_slice %arg3[%dma_wait3A, %add3A_4, %dma_wait3A_23] : memref<2x2560x125xi32, #tpu.memory_space<hbm>> -> memref<1x40x125xi32, #tpu.memory_space<hbm>>
    %dma_wait3A_25 = tpu.memref_squeeze %dma_wait3A_24 : memref<1x40x125xi32, #tpu.memory_space<hbm>> -> memref<40x125xi32, #tpu.memory_space<hbm>>
    tpu.wait_dma2 semaphore(%arg11 : memref<!tpu.dma_semaphore, #tpu.memory_space<semaphore_mem>>) src(%dma_wait3A_25 : memref<40x125xi32, #tpu.memory_space<hbm>>) dst(%arg6 : memref<40x125xi32, #tpu.memory_space<vmem>>)
    %dma_wait3A_26 = arith.constant 1 : i32
    %dma_wait3A_27 = arith.constant 0 : i32
    %dma_wait3A_28 = tpu.memref_slice %arg3[%dma_wait3A_26, %add3A_4, %dma_wait3A_27] : memref<2x2560x125xi32, #tpu.memory_space<hbm>> -> memref<1x40x125xi32, #tpu.memory_space<hbm>>
    %dma_wait3A_29 = tpu.memref_squeeze %dma_wait3A_28 : memref<1x40x125xi32, #tpu.memory_space<hbm>> -> memref<40x125xi32, #tpu.memory_space<hbm>>
    %dma_wait3A_30 = arith.constant 0 : i32
    %dma_wait3A_31 = tpu.memref_slice %arg3[%dma_wait3A_26, %add3A_4, %dma_wait3A_30] : memref<2x2560x125xi32, #tpu.memory_space<hbm>> -> memref<1x40x125xi32, #tpu.memory_space<hbm>>
    %dma_wait3A_32 = tpu.memref_squeeze %dma_wait3A_31 : memref<1x40x125xi32, #tpu.memory_space<hbm>> -> memref<40x125xi32, #tpu.memory_space<hbm>>
    tpu.wait_dma2 semaphore(%arg11 : memref<!tpu.dma_semaphore, #tpu.memory_space<semaphore_mem>>) src(%dma_wait3A_32 : memref<40x125xi32, #tpu.memory_space<hbm>>) dst(%arg7 : memref<40x125xi32, #tpu.memory_space<vmem>>)
    %barrier3A = arith.constant 0 : index
    tpu.barrier barrier_id(%barrier3A)
    %dma_start3A_33 = arith.constant 0 : i32
    %dma_start3A_34 = arith.constant 0 : i32
    %dma_start3A_35 = tpu.memref_slice %arg6[%dma_start3A_33, %dma_start3A_34] : memref<40x125xi32, #tpu.memory_space<vmem>> -> memref<1x125xi32, #tpu.memory_space<vmem>>
    %dma_start3A_36 = tpu.memref_squeeze %dma_start3A_35 : memref<1x125xi32, #tpu.memory_space<vmem>> -> memref<125xi32, #tpu.memory_space<vmem>>
    %dma_start3A_37 = arith.constant 0 : i32
    %dma_start3A_38 = arith.constant 0 : i32
    %dma_start3A_39 = tpu.memref_slice %arg2[%dma_start3A_37, %dma_start3A_38] : memref<10000x128xf32, #tpu.memory_space<hbm>> -> memref<10000x128xf32, #tpu.memory_space<hbm>>
    tpu.enqueue_indirect_dma source(%dma_start3A_39 : memref<10000x128xf32, #tpu.memory_space<hbm>>) target(%arg8 : memref<125x128xf32, #tpu.memory_space<vmem>>) offsets(%dma_start3A_36 : memref<125xi32, #tpu.memory_space<vmem>>) semaphore(%arg12 : memref<!tpu.dma_semaphore, #tpu.memory_space<semaphore_mem>>)
    %scan3A = arith.constant 0 : i32
    %scan3A_40 = arith.constant 0 : i32
    %scan3A_41 = arith.constant 20 : i32
    %scan3A_42 = arith.addi %scan3A_40, %scan3A_41 : i32
    %scan3A_43 = arith.constant 1 : i32
    scf.for %scan3A_96 = %scan3A_40 to %scan3A_42 step %scan3A_43  : i32 {
      %mul3A_97 = arith.constant 2 : i32
      %mul3A_98 = arith.muli %mul3A_97, %scan3A_96 : i32
      %add3A_99 = arith.constant 1 : i32
      %add3A_100 = arith.addi %mul3A_98, %add3A_99 : i32
      %dma_start3A_101 = arith.constant 0 : i32
      %dma_start3A_102 = tpu.memref_slice %arg6[%add3A_100, %dma_start3A_101] : memref<40x125xi32, #tpu.memory_space<vmem>> -> memref<1x125xi32, #tpu.memory_space<vmem>>
      %dma_start3A_103 = tpu.memref_squeeze %dma_start3A_102 : memref<1x125xi32, #tpu.memory_space<vmem>> -> memref<125xi32, #tpu.memory_space<vmem>>
      %dma_start3A_104 = arith.constant 0 : i32
      %dma_start3A_105 = arith.constant 0 : i32
      %dma_start3A_106 = tpu.memref_slice %arg2[%dma_start3A_104, %dma_start3A_105] : memref<10000x128xf32, #tpu.memory_space<hbm>> -> memref<10000x128xf32, #tpu.memory_space<hbm>>
      tpu.enqueue_indirect_dma source(%dma_start3A_106 : memref<10000x128xf32, #tpu.memory_space<hbm>>) target(%arg9 : memref<125x128xf32, #tpu.memory_space<vmem>>) offsets(%dma_start3A_103 : memref<125xi32, #tpu.memory_space<vmem>>) semaphore(%arg13 : memref<!tpu.dma_semaphore, #tpu.memory_space<semaphore_mem>>)
      %dma_wait3A_107 = arith.constant 0 : i32
      %dma_wait3A_108 = tpu.memref_slice %arg6[%mul3A_98, %dma_wait3A_107] : memref<40x125xi32, #tpu.memory_space<vmem>> -> memref<1x125xi32, #tpu.memory_space<vmem>>
      %dma_wait3A_109 = tpu.memref_squeeze %dma_wait3A_108 : memref<1x125xi32, #tpu.memory_space<vmem>> -> memref<125xi32, #tpu.memory_space<vmem>>
      %dma_wait3A_110 = arith.constant 0 : i32
      %dma_wait3A_111 = arith.constant 0 : i32
      %dma_wait3A_112 = tpu.memref_slice %arg2[%dma_wait3A_110, %dma_wait3A_111] : memref<10000x128xf32, #tpu.memory_space<hbm>> -> memref<10000x128xf32, #tpu.memory_space<hbm>>
      tpu.wait_indirect_dma semaphore(%arg12 : memref<!tpu.dma_semaphore, #tpu.memory_space<semaphore_mem>>) src(%dma_wait3A_112 : memref<10000x128xf32, #tpu.memory_space<hbm>>) dst(%arg8 : memref<125x128xf32, #tpu.memory_space<vmem>>)
      "tpu.region"() ({
        %run_scoped3A = tpu.sem_alloc : memref<!tpu.dma_semaphore, #tpu.memory_space<semaphore_mem>>
        %dma_start3A_125 = arith.constant 0 : i32
        %dma_start3A_126 = tpu.memref_slice %arg7[%mul3A_98, %dma_start3A_125] : memref<40x125xi32, #tpu.memory_space<vmem>> -> memref<1x125xi32, #tpu.memory_space<vmem>>
        %dma_start3A_127 = tpu.memref_squeeze %dma_start3A_126 : memref<1x125xi32, #tpu.memory_space<vmem>> -> memref<125xi32, #tpu.memory_space<vmem>>
        %dma_start3A_128 = arith.constant 0 : i32
        %dma_start3A_129 = arith.constant 0 : i32
        %dma_start3A_130 = tpu.memref_slice %arg10[%dma_start3A_128, %dma_start3A_129] : memref<10112x128xf32, #tpu.memory_space<vmem_shared>> -> memref<10112x128xf32, #tpu.memory_space<vmem_shared>>
        tpu.enqueue_indirect_dma source(%arg8 : memref<125x128xf32, #tpu.memory_space<vmem>>) target(%dma_start3A_130 : memref<10112x128xf32, #tpu.memory_space<vmem_shared>>) offsets(%dma_start3A_127 : memref<125xi32, #tpu.memory_space<vmem>>) semaphore(%run_scoped3A : memref<!tpu.dma_semaphore, #tpu.memory_space<semaphore_mem>>) {add = true}
        %dma_wait3A_131 = arith.constant 0 : i32
        %dma_wait3A_132 = tpu.memref_slice %arg7[%mul3A_98, %dma_wait3A_131] : memref<40x125xi32, #tpu.memory_space<vmem>> -> memref<1x125xi32, #tpu.memory_space<vmem>>
        %dma_wait3A_133 = tpu.memref_squeeze %dma_wait3A_132 : memref<1x125xi32, #tpu.memory_space<vmem>> -> memref<125xi32, #tpu.memory_space<vmem>>
        %dma_wait3A_134 = arith.constant 0 : i32
        %dma_wait3A_135 = arith.constant 0 : i32
        %dma_wait3A_136 = tpu.memref_slice %arg10[%dma_wait3A_134, %dma_wait3A_135] : memref<10112x128xf32, #tpu.memory_space<vmem_shared>> -> memref<10112x128xf32, #tpu.memory_space<vmem_shared>>
        tpu.wait_indirect_dma semaphore(%run_scoped3A : memref<!tpu.dma_semaphore, #tpu.memory_space<semaphore_mem>>) src(%arg8 : memref<125x128xf32, #tpu.memory_space<vmem>>) dst(%dma_wait3A_136 : memref<10112x128xf32, #tpu.memory_space<vmem_shared>>)
        tpu.yield
      }) : () -> ()
      %lt3A = arith.constant 19 : i32
      %lt3A_113 = arith.cmpi slt, %scan3A_96, %lt3A : i32
      %convert_element_type3A = arith.extui %lt3A_113 : i1 to i32
      %cond3A = arith.constant 0 : i32
      %cond3A_114 = arith.cmpi ne, %convert_element_type3A, %cond3A : i32
      scf.if %cond3A_114 {
        %add3A_125 = arith.constant 2 : i32
        %add3A_126 = arith.addi %mul3A_98, %add3A_125 : i32
        %dma_start3A_127 = arith.constant 0 : i32
        %dma_start3A_128 = tpu.memref_slice %arg6[%add3A_126, %dma_start3A_127] : memref<40x125xi32, #tpu.memory_space<vmem>> -> memref<1x125xi32, #tpu.memory_space<vmem>>
        %dma_start3A_129 = tpu.memref_squeeze %dma_start3A_128 : memref<1x125xi32, #tpu.memory_space<vmem>> -> memref<125xi32, #tpu.memory_space<vmem>>
        %dma_start3A_130 = arith.constant 0 : i32
        %dma_start3A_131 = arith.constant 0 : i32
        %dma_start3A_132 = tpu.memref_slice %arg2[%dma_start3A_130, %dma_start3A_131] : memref<10000x128xf32, #tpu.memory_space<hbm>> -> memref<10000x128xf32, #tpu.memory_space<hbm>>
        tpu.enqueue_indirect_dma source(%dma_start3A_132 : memref<10000x128xf32, #tpu.memory_space<hbm>>) target(%arg8 : memref<125x128xf32, #tpu.memory_space<vmem>>) offsets(%dma_start3A_129 : memref<125xi32, #tpu.memory_space<vmem>>) semaphore(%arg12 : memref<!tpu.dma_semaphore, #tpu.memory_space<semaphore_mem>>)
      } else {
      }
      %add3A_115 = arith.constant 1 : i32
      %add3A_116 = arith.addi %mul3A_98, %add3A_115 : i32
      %dma_wait3A_117 = arith.constant 0 : i32
      %dma_wait3A_118 = tpu.memref_slice %arg6[%add3A_116, %dma_wait3A_117] : memref<40x125xi32, #tpu.memory_space<vmem>> -> memref<1x125xi32, #tpu.memory_space<vmem>>
      %dma_wait3A_119 = tpu.memref_squeeze %dma_wait3A_118 : memref<1x125xi32, #tpu.memory_space<vmem>> -> memref<125xi32, #tpu.memory_space<vmem>>
      %dma_wait3A_120 = arith.constant 0 : i32
      %dma_wait3A_121 = arith.constant 0 : i32
      %dma_wait3A_122 = tpu.memref_slice %arg2[%dma_wait3A_120, %dma_wait3A_121] : memref<10000x128xf32, #tpu.memory_space<hbm>> -> memref<10000x128xf32, #tpu.memory_space<hbm>>
      tpu.wait_indirect_dma semaphore(%arg13 : memref<!tpu.dma_semaphore, #tpu.memory_space<semaphore_mem>>) src(%dma_wait3A_122 : memref<10000x128xf32, #tpu.memory_space<hbm>>) dst(%arg9 : memref<125x128xf32, #tpu.memory_space<vmem>>)
      %add3A_123 = arith.constant 1 : i32
      %add3A_124 = arith.addi %mul3A_98, %add3A_123 : i32
      "tpu.region"() ({
        %run_scoped3A = tpu.sem_alloc : memref<!tpu.dma_semaphore, #tpu.memory_space<semaphore_mem>>
        %dma_start3A_125 = arith.constant 0 : i32
        %dma_start3A_126 = tpu.memref_slice %arg7[%add3A_124, %dma_start3A_125] : memref<40x125xi32, #tpu.memory_space<vmem>> -> memref<1x125xi32, #tpu.memory_space<vmem>>
        %dma_start3A_127 = tpu.memref_squeeze %dma_start3A_126 : memref<1x125xi32, #tpu.memory_space<vmem>> -> memref<125xi32, #tpu.memory_space<vmem>>
        %dma_start3A_128 = arith.constant 0 : i32
        %dma_start3A_129 = arith.constant 0 : i32
        %dma_start3A_130 = tpu.memref_slice %arg10[%dma_start3A_128, %dma_start3A_129] : memref<10112x128xf32, #tpu.memory_space<vmem_shared>> -> memref<10112x128xf32, #tpu.memory_space<vmem_shared>>
        tpu.enqueue_indirect_dma source(%arg9 : memref<125x128xf32, #tpu.memory_space<vmem>>) target(%dma_start3A_130 : memref<10112x128xf32, #tpu.memory_space<vmem_shared>>) offsets(%dma_start3A_127 : memref<125xi32, #tpu.memory_space<vmem>>) semaphore(%run_scoped3A : memref<!tpu.dma_semaphore, #tpu.memory_space<semaphore_mem>>) {add = true}
        %dma_wait3A_131 = arith.constant 0 : i32
        %dma_wait3A_132 = tpu.memref_slice %arg7[%add3A_124, %dma_wait3A_131] : memref<40x125xi32, #tpu.memory_space<vmem>> -> memref<1x125xi32, #tpu.memory_space<vmem>>
        %dma_wait3A_133 = tpu.memref_squeeze %dma_wait3A_132 : memref<1x125xi32, #tpu.memory_space<vmem>> -> memref<125xi32, #tpu.memory_space<vmem>>
        %dma_wait3A_134 = arith.constant 0 : i32
        %dma_wait3A_135 = arith.constant 0 : i32
        %dma_wait3A_136 = tpu.memref_slice %arg10[%dma_wait3A_134, %dma_wait3A_135] : memref<10112x128xf32, #tpu.memory_space<vmem_shared>> -> memref<10112x128xf32, #tpu.memory_space<vmem_shared>>
        tpu.wait_indirect_dma semaphore(%run_scoped3A : memref<!tpu.dma_semaphore, #tpu.memory_space<semaphore_mem>>) src(%arg9 : memref<125x128xf32, #tpu.memory_space<vmem>>) dst(%dma_wait3A_136 : memref<10112x128xf32, #tpu.memory_space<vmem_shared>>)
        tpu.yield
      }) : () -> ()
    }
    %scan3A_44 = arith.constant 20 : i32
    %add3A_45 = arith.constant 40 : i32
    %add3A_46 = arith.addi %mul3A_2, %add3A_45 : i32
    %dma_start3A_47 = arith.constant 0 : i32
    %dma_start3A_48 = arith.constant 0 : i32
    %dma_start3A_49 = tpu.memref_slice %arg3[%dma_start3A_47, %add3A_46, %dma_start3A_48] : memref<2x2560x125xi32, #tpu.memory_space<hbm>> -> memref<1x40x125xi32, #tpu.memory_space<hbm>>
    %dma_start3A_50 = tpu.memref_squeeze %dma_start3A_49 : memref<1x40x125xi32, #tpu.memory_space<hbm>> -> memref<40x125xi32, #tpu.memory_space<hbm>>
    %dma_start3A_51 = arith.constant 0 : i32
    %dma_start3A_52 = tpu.memref_slice %arg3[%dma_start3A_47, %add3A_46, %dma_start3A_51] : memref<2x2560x125xi32, #tpu.memory_space<hbm>> -> memref<1x40x125xi32, #tpu.memory_space<hbm>>
    %dma_start3A_53 = tpu.memref_squeeze %dma_start3A_52 : memref<1x40x125xi32, #tpu.memory_space<hbm>> -> memref<40x125xi32, #tpu.memory_space<hbm>>
    tpu.enqueue_dma source(%dma_start3A_53 : memref<40x125xi32, #tpu.memory_space<hbm>>) target(%arg6 : memref<40x125xi32, #tpu.memory_space<vmem>>) target_semaphore(%arg11 : memref<!tpu.dma_semaphore, #tpu.memory_space<semaphore_mem>>)
    %dma_start3A_54 = arith.constant 1 : i32
    %dma_start3A_55 = arith.constant 0 : i32
    %dma_start3A_56 = tpu.memref_slice %arg3[%dma_start3A_54, %add3A_46, %dma_start3A_55] : memref<2x2560x125xi32, #tpu.memory_space<hbm>> -> memref<1x40x125xi32, #tpu.memory_space<hbm>>
    %dma_start3A_57 = tpu.memref_squeeze %dma_start3A_56 : memref<1x40x125xi32, #tpu.memory_space<hbm>> -> memref<40x125xi32, #tpu.memory_space<hbm>>
    %dma_start3A_58 = arith.constant 0 : i32
    %dma_start3A_59 = tpu.memref_slice %arg3[%dma_start3A_54, %add3A_46, %dma_start3A_58] : memref<2x2560x125xi32, #tpu.memory_space<hbm>> -> memref<1x40x125xi32, #tpu.memory_space<hbm>>
    %dma_start3A_60 = tpu.memref_squeeze %dma_start3A_59 : memref<1x40x125xi32, #tpu.memory_space<hbm>> -> memref<40x125xi32, #tpu.memory_space<hbm>>
    tpu.enqueue_dma source(%dma_start3A_60 : memref<40x125xi32, #tpu.memory_space<hbm>>) target(%arg7 : memref<40x125xi32, #tpu.memory_space<vmem>>) target_semaphore(%arg11 : memref<!tpu.dma_semaphore, #tpu.memory_space<semaphore_mem>>)
    %dma_wait3A_61 = arith.constant 0 : i32
    %dma_wait3A_62 = arith.constant 0 : i32
    %dma_wait3A_63 = tpu.memref_slice %arg3[%dma_wait3A_61, %add3A_46, %dma_wait3A_62] : memref<2x2560x125xi32, #tpu.memory_space<hbm>> -> memref<1x40x125xi32, #tpu.memory_space<hbm>>
    %dma_wait3A_64 = tpu.memref_squeeze %dma_wait3A_63 : memref<1x40x125xi32, #tpu.memory_space<hbm>> -> memref<40x125xi32, #tpu.memory_space<hbm>>
    %dma_wait3A_65 = arith.constant 0 : i32
    %dma_wait3A_66 = tpu.memref_slice %arg3[%dma_wait3A_61, %add3A_46, %dma_wait3A_65] : memref<2x2560x125xi32, #tpu.memory_space<hbm>> -> memref<1x40x125xi32, #tpu.memory_space<hbm>>
    %dma_wait3A_67 = tpu.memref_squeeze %dma_wait3A_66 : memref<1x40x125xi32, #tpu.memory_space<hbm>> -> memref<40x125xi32, #tpu.memory_space<hbm>>
    tpu.wait_dma2 semaphore(%arg11 : memref<!tpu.dma_semaphore, #tpu.memory_space<semaphore_mem>>) src(%dma_wait3A_67 : memref<40x125xi32, #tpu.memory_space<hbm>>) dst(%arg6 : memref<40x125xi32, #tpu.memory_space<vmem>>)
    %dma_wait3A_68 = arith.constant 1 : i32
    %dma_wait3A_69 = arith.constant 0 : i32
    %dma_wait3A_70 = tpu.memref_slice %arg3[%dma_wait3A_68, %add3A_46, %dma_wait3A_69] : memref<2x2560x125xi32, #tpu.memory_space<hbm>> -> memref<1x40x125xi32, #tpu.memory_space<hbm>>
    %dma_wait3A_71 = tpu.memref_squeeze %dma_wait3A_70 : memref<1x40x125xi32, #tpu.memory_space<hbm>> -> memref<40x125xi32, #tpu.memory_space<hbm>>
    %dma_wait3A_72 = arith.constant 0 : i32
    %dma_wait3A_73 = tpu.memref_slice %arg3[%dma_wait3A_68, %add3A_46, %dma_wait3A_72] : memref<2x2560x125xi32, #tpu.memory_space<hbm>> -> memref<1x40x125xi32, #tpu.memory_space<hbm>>
    %dma_wait3A_74 = tpu.memref_squeeze %dma_wait3A_73 : memref<1x40x125xi32, #tpu.memory_space<hbm>> -> memref<40x125xi32, #tpu.memory_space<hbm>>
    tpu.wait_dma2 semaphore(%arg11 : memref<!tpu.dma_semaphore, #tpu.memory_space<semaphore_mem>>) src(%dma_wait3A_74 : memref<40x125xi32, #tpu.memory_space<hbm>>) dst(%arg7 : memref<40x125xi32, #tpu.memory_space<vmem>>)
    %dma_start3A_75 = arith.constant 0 : i32
    %dma_start3A_76 = arith.constant 0 : i32
    %dma_start3A_77 = tpu.memref_slice %arg6[%dma_start3A_75, %dma_start3A_76] : memref<40x125xi32, #tpu.memory_space<vmem>> -> memref<1x125xi32, #tpu.memory_space<vmem>>
    %dma_start3A_78 = tpu.memref_squeeze %dma_start3A_77 : memref<1x125xi32, #tpu.memory_space<vmem>> -> memref<125xi32, #tpu.memory_space<vmem>>
    %dma_start3A_79 = arith.constant 0 : i32
    %dma_start3A_80 = arith.constant 0 : i32
    %dma_start3A_81 = tpu.memref_slice %arg2[%dma_start3A_79, %dma_start3A_80] : memref<10000x128xf32, #tpu.memory_space<hbm>> -> memref<10000x128xf32, #tpu.memory_space<hbm>>
    tpu.enqueue_indirect_dma source(%dma_start3A_81 : memref<10000x128xf32, #tpu.memory_space<hbm>>) target(%arg8 : memref<125x128xf32, #tpu.memory_space<vmem>>) offsets(%dma_start3A_78 : memref<125xi32, #tpu.memory_space<vmem>>) semaphore(%arg12 : memref<!tpu.dma_semaphore, #tpu.memory_space<semaphore_mem>>)
    %scan3A_82 = arith.constant 0 : i32
    %scan3A_83 = arith.constant 0 : i32
    %scan3A_84 = arith.constant 20 : i32
    %scan3A_85 = arith.addi %scan3A_83, %scan3A_84 : i32
    %scan3A_86 = arith.constant 1 : i32
    scf.for %scan3A_96 = %scan3A_83 to %scan3A_85 step %scan3A_86  : i32 {
      %mul3A_97 = arith.constant 2 : i32
      %mul3A_98 = arith.muli %mul3A_97, %scan3A_96 : i32
      %add3A_99 = arith.constant 1 : i32
      %add3A_100 = arith.addi %mul3A_98, %add3A_99 : i32
      %dma_start3A_101 = arith.constant 0 : i32
      %dma_start3A_102 = tpu.memref_slice %arg6[%add3A_100, %dma_start3A_101] : memref<40x125xi32, #tpu.memory_space<vmem>> -> memref<1x125xi32, #tpu.memory_space<vmem>>
      %dma_start3A_103 = tpu.memref_squeeze %dma_start3A_102 : memref<1x125xi32, #tpu.memory_space<vmem>> -> memref<125xi32, #tpu.memory_space<vmem>>
      %dma_start3A_104 = arith.constant 0 : i32
      %dma_start3A_105 = arith.constant 0 : i32
      %dma_start3A_106 = tpu.memref_slice %arg2[%dma_start3A_104, %dma_start3A_105] : memref<10000x128xf32, #tpu.memory_space<hbm>> -> memref<10000x128xf32, #tpu.memory_space<hbm>>
      tpu.enqueue_indirect_dma source(%dma_start3A_106 : memref<10000x128xf32, #tpu.memory_space<hbm>>) target(%arg9 : memref<125x128xf32, #tpu.memory_space<vmem>>) offsets(%dma_start3A_103 : memref<125xi32, #tpu.memory_space<vmem>>) semaphore(%arg13 : memref<!tpu.dma_semaphore, #tpu.memory_space<semaphore_mem>>)
      %dma_wait3A_107 = arith.constant 0 : i32
      %dma_wait3A_108 = tpu.memref_slice %arg6[%mul3A_98, %dma_wait3A_107] : memref<40x125xi32, #tpu.memory_space<vmem>> -> memref<1x125xi32, #tpu.memory_space<vmem>>
      %dma_wait3A_109 = tpu.memref_squeeze %dma_wait3A_108 : memref<1x125xi32, #tpu.memory_space<vmem>> -> memref<125xi32, #tpu.memory_space<vmem>>
      %dma_wait3A_110 = arith.constant 0 : i32
      %dma_wait3A_111 = arith.constant 0 : i32
      %dma_wait3A_112 = tpu.memref_slice %arg2[%dma_wait3A_110, %dma_wait3A_111] : memref<10000x128xf32, #tpu.memory_space<hbm>> -> memref<10000x128xf32, #tpu.memory_space<hbm>>
      tpu.wait_indirect_dma semaphore(%arg12 : memref<!tpu.dma_semaphore, #tpu.memory_space<semaphore_mem>>) src(%dma_wait3A_112 : memref<10000x128xf32, #tpu.memory_space<hbm>>) dst(%arg8 : memref<125x128xf32, #tpu.memory_space<vmem>>)
      "tpu.region"() ({
        %run_scoped3A = tpu.sem_alloc : memref<!tpu.dma_semaphore, #tpu.memory_space<semaphore_mem>>
        %dma_start3A_125 = arith.constant 0 : i32
        %dma_start3A_126 = tpu.memref_slice %arg7[%mul3A_98, %dma_start3A_125] : memref<40x125xi32, #tpu.memory_space<vmem>> -> memref<1x125xi32, #tpu.memory_space<vmem>>
        %dma_start3A_127 = tpu.memref_squeeze %dma_start3A_126 : memref<1x125xi32, #tpu.memory_space<vmem>> -> memref<125xi32, #tpu.memory_space<vmem>>
        %dma_start3A_128 = arith.constant 0 : i32
        %dma_start3A_129 = arith.constant 0 : i32
        %dma_start3A_130 = tpu.memref_slice %arg10[%dma_start3A_128, %dma_start3A_129] : memref<10112x128xf32, #tpu.memory_space<vmem_shared>> -> memref<10112x128xf32, #tpu.memory_space<vmem_shared>>
        tpu.enqueue_indirect_dma source(%arg8 : memref<125x128xf32, #tpu.memory_space<vmem>>) target(%dma_start3A_130 : memref<10112x128xf32, #tpu.memory_space<vmem_shared>>) offsets(%dma_start3A_127 : memref<125xi32, #tpu.memory_space<vmem>>) semaphore(%run_scoped3A : memref<!tpu.dma_semaphore, #tpu.memory_space<semaphore_mem>>) {add = true}
        %dma_wait3A_131 = arith.constant 0 : i32
        %dma_wait3A_132 = tpu.memref_slice %arg7[%mul3A_98, %dma_wait3A_131] : memref<40x125xi32, #tpu.memory_space<vmem>> -> memref<1x125xi32, #tpu.memory_space<vmem>>
        %dma_wait3A_133 = tpu.memref_squeeze %dma_wait3A_132 : memref<1x125xi32, #tpu.memory_space<vmem>> -> memref<125xi32, #tpu.memory_space<vmem>>
        %dma_wait3A_134 = arith.constant 0 : i32
        %dma_wait3A_135 = arith.constant 0 : i32
        %dma_wait3A_136 = tpu.memref_slice %arg10[%dma_wait3A_134, %dma_wait3A_135] : memref<10112x128xf32, #tpu.memory_space<vmem_shared>> -> memref<10112x128xf32, #tpu.memory_space<vmem_shared>>
        tpu.wait_indirect_dma semaphore(%run_scoped3A : memref<!tpu.dma_semaphore, #tpu.memory_space<semaphore_mem>>) src(%arg8 : memref<125x128xf32, #tpu.memory_space<vmem>>) dst(%dma_wait3A_136 : memref<10112x128xf32, #tpu.memory_space<vmem_shared>>)
        tpu.yield
      }) : () -> ()
      %lt3A = arith.constant 19 : i32
      %lt3A_113 = arith.cmpi slt, %scan3A_96, %lt3A : i32
      %convert_element_type3A = arith.extui %lt3A_113 : i1 to i32
      %cond3A = arith.constant 0 : i32
      %cond3A_114 = arith.cmpi ne, %convert_element_type3A, %cond3A : i32
      scf.if %cond3A_114 {
        %add3A_125 = arith.constant 2 : i32
        %add3A_126 = arith.addi %mul3A_98, %add3A_125 : i32
        %dma_start3A_127 = arith.constant 0 : i32
        %dma_start3A_128 = tpu.memref_slice %arg6[%add3A_126, %dma_start3A_127] : memref<40x125xi32, #tpu.memory_space<vmem>> -> memref<1x125xi32, #tpu.memory_space<vmem>>
        %dma_start3A_129 = tpu.memref_squeeze %dma_start3A_128 : memref<1x125xi32, #tpu.memory_space<vmem>> -> memref<125xi32, #tpu.memory_space<vmem>>
        %dma_start3A_130 = arith.constant 0 : i32
        %dma_start3A_131 = arith.constant 0 : i32
        %dma_start3A_132 = tpu.memref_slice %arg2[%dma_start3A_130, %dma_start3A_131] : memref<10000x128xf32, #tpu.memory_space<hbm>> -> memref<10000x128xf32, #tpu.memory_space<hbm>>
        tpu.enqueue_indirect_dma source(%dma_start3A_132 : memref<10000x128xf32, #tpu.memory_space<hbm>>) target(%arg8 : memref<125x128xf32, #tpu.memory_space<vmem>>) offsets(%dma_start3A_129 : memref<125xi32, #tpu.memory_space<vmem>>) semaphore(%arg12 : memref<!tpu.dma_semaphore, #tpu.memory_space<semaphore_mem>>)
      } else {
      }
      %add3A_115 = arith.constant 1 : i32
      %add3A_116 = arith.addi %mul3A_98, %add3A_115 : i32
      %dma_wait3A_117 = arith.constant 0 : i32
      %dma_wait3A_118 = tpu.memref_slice %arg6[%add3A_116, %dma_wait3A_117] : memref<40x125xi32, #tpu.memory_space<vmem>> -> memref<1x125xi32, #tpu.memory_space<vmem>>
      %dma_wait3A_119 = tpu.memref_squeeze %dma_wait3A_118 : memref<1x125xi32, #tpu.memory_space<vmem>> -> memref<125xi32, #tpu.memory_space<vmem>>
      %dma_wait3A_120 = arith.constant 0 : i32
      %dma_wait3A_121 = arith.constant 0 : i32
      %dma_wait3A_122 = tpu.memref_slice %arg2[%dma_wait3A_120, %dma_wait3A_121] : memref<10000x128xf32, #tpu.memory_space<hbm>> -> memref<10000x128xf32, #tpu.memory_space<hbm>>
      tpu.wait_indirect_dma semaphore(%arg13 : memref<!tpu.dma_semaphore, #tpu.memory_space<semaphore_mem>>) src(%dma_wait3A_122 : memref<10000x128xf32, #tpu.memory_space<hbm>>) dst(%arg9 : memref<125x128xf32, #tpu.memory_space<vmem>>)
      %add3A_123 = arith.constant 1 : i32
      %add3A_124 = arith.addi %mul3A_98, %add3A_123 : i32
      "tpu.region"() ({
        %run_scoped3A = tpu.sem_alloc : memref<!tpu.dma_semaphore, #tpu.memory_space<semaphore_mem>>
        %dma_start3A_125 = arith.constant 0 : i32
        %dma_start3A_126 = tpu.memref_slice %arg7[%add3A_124, %dma_start3A_125] : memref<40x125xi32, #tpu.memory_space<vmem>> -> memref<1x125xi32, #tpu.memory_space<vmem>>
        %dma_start3A_127 = tpu.memref_squeeze %dma_start3A_126 : memref<1x125xi32, #tpu.memory_space<vmem>> -> memref<125xi32, #tpu.memory_space<vmem>>
        %dma_start3A_128 = arith.constant 0 : i32
        %dma_start3A_129 = arith.constant 0 : i32
        %dma_start3A_130 = tpu.memref_slice %arg10[%dma_start3A_128, %dma_start3A_129] : memref<10112x128xf32, #tpu.memory_space<vmem_shared>> -> memref<10112x128xf32, #tpu.memory_space<vmem_shared>>
        tpu.enqueue_indirect_dma source(%arg9 : memref<125x128xf32, #tpu.memory_space<vmem>>) target(%dma_start3A_130 : memref<10112x128xf32, #tpu.memory_space<vmem_shared>>) offsets(%dma_start3A_127 : memref<125xi32, #tpu.memory_space<vmem>>) semaphore(%run_scoped3A : memref<!tpu.dma_semaphore, #tpu.memory_space<semaphore_mem>>) {add = true}
        %dma_wait3A_131 = arith.constant 0 : i32
        %dma_wait3A_132 = tpu.memref_slice %arg7[%add3A_124, %dma_wait3A_131] : memref<40x125xi32, #tpu.memory_space<vmem>> -> memref<1x125xi32, #tpu.memory_space<vmem>>
        %dma_wait3A_133 = tpu.memref_squeeze %dma_wait3A_132 : memref<1x125xi32, #tpu.memory_space<vmem>> -> memref<125xi32, #tpu.memory_space<vmem>>
        %dma_wait3A_134 = arith.constant 0 : i32
        %dma_wait3A_135 = arith.constant 0 : i32
        %dma_wait3A_136 = tpu.memref_slice %arg10[%dma_wait3A_134, %dma_wait3A_135] : memref<10112x128xf32, #tpu.memory_space<vmem_shared>> -> memref<10112x128xf32, #tpu.memory_space<vmem_shared>>
        tpu.wait_indirect_dma semaphore(%run_scoped3A : memref<!tpu.dma_semaphore, #tpu.memory_space<semaphore_mem>>) src(%arg9 : memref<125x128xf32, #tpu.memory_space<vmem>>) dst(%dma_wait3A_136 : memref<10112x128xf32, #tpu.memory_space<vmem_shared>>)
        tpu.yield
      }) : () -> ()
    }
    %scan3A_87 = arith.constant 20 : i32
    %barrier3A_88 = arith.constant 0 : index
    tpu.barrier barrier_id(%barrier3A_88)
    %mul3A_89 = arith.constant 10112 : i32
    %mul3A_90 = arith.muli %arg0, %mul3A_89 : i32
    %mul3A_91 = arith.constant 632 : i32
    %mul3A_92 = arith.muli %arg1, %mul3A_91 : i32
    %add3A_93 = arith.addi %mul3A_90, %mul3A_92 : i32
    %mul3A_94 = arith.constant 632 : i32
    %mul3A_95 = arith.muli %arg1, %mul3A_94 : i32
    "tpu.region"() ({
      %run_scoped3A = tpu.sem_alloc : memref<!tpu.dma_semaphore, #tpu.memory_space<semaphore_mem>>
      %dma_start3A_96 = arith.constant 0 : i32
      %dma_start3A_97 = tpu.memref_slice %arg5[%add3A_93, %dma_start3A_96] : memref<20224x128xf32, #tpu.memory_space<hbm>> -> memref<632x128xf32, #tpu.memory_space<hbm>>
      %dma_start3A_98 = arith.constant 0 : i32
      %dma_start3A_99 = tpu.memref_slice %arg10[%mul3A_95, %dma_start3A_98] : memref<10112x128xf32, #tpu.memory_space<vmem_shared>> -> memref<632x128xf32, #tpu.memory_space<vmem_shared>>
      tpu.enqueue_dma source(%dma_start3A_99 : memref<632x128xf32, #tpu.memory_space<vmem_shared>>) target(%dma_start3A_97 : memref<632x128xf32, #tpu.memory_space<hbm>>) target_semaphore(%run_scoped3A : memref<!tpu.dma_semaphore, #tpu.memory_space<semaphore_mem>>)
      %dma_wait3A_100 = arith.constant 0 : i32
      %dma_wait3A_101 = tpu.memref_slice %arg5[%add3A_93, %dma_wait3A_100] : memref<20224x128xf32, #tpu.memory_space<hbm>> -> memref<632x128xf32, #tpu.memory_space<hbm>>
      %dma_wait3A_102 = arith.constant 0 : i32
      %dma_wait3A_103 = tpu.memref_slice %arg10[%mul3A_95, %dma_wait3A_102] : memref<10112x128xf32, #tpu.memory_space<vmem_shared>> -> memref<632x128xf32, #tpu.memory_space<vmem_shared>>
      tpu.wait_dma2 semaphore(%run_scoped3A : memref<!tpu.dma_semaphore, #tpu.memory_space<semaphore_mem>>) src(%dma_wait3A_103 : memref<632x128xf32, #tpu.memory_space<vmem_shared>>) dst(%dma_wait3A_101 : memref<632x128xf32, #tpu.memory_space<hbm>>)
      tpu.yield
    }) : () -> ()
    return
  }
}

</mosaic_0001>

<sc_bundles>
// kernel: _sc_aggregate.3.cloned.1.call-start
scs
__scs_entry_jumppad:
0x0: {  	(pc) =	sbr.rel $0x88, $3  }
0x1: {  	(tag) =	ssettag $0x0;
	lr =	simm.s32 $0x1  }
0x2: {  	[smem:$0x3F9E] =	sst lr;
	_ =	strace $0xD0000000  }
0x3: {  	_ = 	snop  }
0x4: {  	_ = 	snop  }
0x5: {  	_ = 	snop  }
0x6: {  	_ = 	snop  }
0x7: {  	_ = 	snop  }
__scs_overlays_trampoline_lowered:
0x8: {  	[smem:$0x3FAD] =	sst s0  }
0x9: {  	[smem:$0x3FAE] =	sst s1  }
0xa: {  	[smem:$0x3FAF] =	sst s2  }
0xb: {  	[smem:$0x3FB0] =	sst s3  }
0xc: {  	[smem:$0x3FB1] =	sst s4  }
0xd: {  	[smem:$0x3FB2] =	sst s5  }
0xe: {  	[smem:$0x3FB3] =	sst s6  }
0xf: {  	[smem:$0x3FB4] =	sst s7  }
0x10: {  	[smem:$0x3FB5] =	sst s8  }
0x11: {  	[smem:$0x3FB6] =	sst s9;
	s0 =	simm.s32 @!p0 $0x0  }
0x12: {  	s1 =	sld [smem:$0x3F9C];
	s0 =	simm.s32 @p0 $0x1  }
0x13: {  	[smem:$0x3FB7] =	sst s0;
	s0 =	simm.s32 @!p1 $0x0  }
0x14: {  	s2 =	sld [smem:$0x3F9B];
	s0 =	simm.s32 @p1 $0x1  }
0x15: {  	[smem:$0x3FB8] =	sst s0;
	s0 =	simm.s32 @!p2 $0x0  }
0x16: {  	s3 =	sld [smem:$0x3FDB];
	s0 =	simm.s32 @p2 $0x1  }
0x17: {  	s4 =	simm.s32 $0x1BF5;
	[smem:$0x3FBA] =	sst s0  }
0x18: {  	s0 =	sld [smem:$0x3F9D];
	_ =	swait.ge [sflag:s4], $0x0  }
0x19: {  	s7 =	sld [smem:$0x3F9E]  }
0x1a: {  	s8 =	sadd.s32 $0xFFFFE003, lr  }
0x1b: {  	s9 =	sadd.s32 $0xFFFFFEF7, lr;
	s5 =	simm.s32 $0xFFFFFFFF;
	p2 =	slt.u32 s8, $0xFFFFF086  }
0x1c: {  	p1 =	slt.u32 s9, $0xF7A;
	s5 =	simm.s32 @!p2 $0x0  }
0x1d: {  	s5 =	simm.s32 @p1 $0x1;
	p0 =	seq.s32 s7, s2  }
0x1e: {  	s7 =	smul.u32 @!p0 $0xF7A, s2;
	p2 =	seq.s32 @!p0 s5, $0x0  }
0x1f: {  	s9 =	smul.u32 $0xF7A, s1;
	s8 =	simm.s32 @!p0 $0x1BF5;
	p2 =	por !p2, p0  }
0x20: {  	[sflag:s8] =	ssyncset.s32 @!p0 $0xFFFFF086;
	s6 =	sadd.s32 @!p0 s3, s7;
	s7 =	simm.s32 @!p0 $0x108  }
0x21: {  	s3 =	sadd.s32 s3, s9;
	s6 =	sadd.s32 @!p0 $0x88, s6;
	s7 =	simm.s32 @p2 $0x1082  }
0x22: {  	[simem:s7], [sflag:s8] =	dma.local @!p0 [hbm:s6], $0xF7A  }
0x23: {  	s9 =	sor.u32 $0xD0000000, s2;
	s6 =	simm.s32 $0x108;
	_ =	swait.ge @!p0 [sflag:s8], $0x0  }
0x24: {  	s3 =	sadd.s32 $0x88, s3;
	s6 =	simm.s32 @!p1 $0x1082;
	[sflag:s4] =	ssyncset.s32 $0xFFFFF086  }
0x25: {  	[simem:s6], [sflag:s4] =	dma.local [hbm:s3], $0xF7A  }
0x26: {  	[smem:$0x3F9E] =	sst s1;
	(tag) =	ssettag s2;
	_ =	strace s9  }
0x27: {  	s1 =	sld [smem:$0x3FAE]  }
0x28: {  	s2 =	sld [smem:$0x3FAF]  }
0x29: {  	s4 =	sld [smem:$0x3FB1]  }
0x2a: {  	p0 =	seq.s32 s5, $0x0;
	s5 =	sld [smem:$0x3FB2]  }
0x2b: {  	s6 =	sld [smem:$0x3FB3]  }
0x2c: {  	s7 =	sld [smem:$0x3FB4]  }
0x2d: {  	s3 =	simm.s32 $0x108;
	s8 =	sld [smem:$0x3FB5]  }
0x2e: {  	s3 =	simm.s32 @!p0 $0x1082;
	s9 =	sld [smem:$0x3FB6]  }
0x2f: {  	lr =	sadd.s32 s0, s3;
	s0 =	sld [smem:$0x3FAD]  }
0x30: {  	s3 =	sld [smem:$0x3FB0]  }
0x31: {  	[smem:$0x3FB9] =	sst s10  }
0x32: {  	s10 =	sld [smem:$0x3FB7];
	_ =	sdelay $0x3  }
0x33: {  	p0 =	seq.s32 s10, $0x1;
	s10 =	sld [smem:$0x3FB9];
	_ =	sdelay $0x3  }
0x34: {  	[smem:$0x3FB9] =	sst s10  }
0x35: {  	s10 =	sld [smem:$0x3FB8];
	_ =	sdelay $0x3  }
0x36: {  	p1 =	seq.s32 s10, $0x1;
	s10 =	sld [smem:$0x3FB9];
	_ =	sdelay $0x3  }
0x37: {  	[smem:$0x3FB9] =	sst s10  }
0x38: {  	s10 =	sld [smem:$0x3FBA]  }
0x39: {  	_ = 	snop;
	(pc) =	sbr.ind lr, $3  }
0x3a: {  	_ = 	snop  }
0x3b: {  	_ = 	snop  }
0x3c: {  	p2 =	seq.s32 s10, $0x1;
	s10 =	sld [smem:$0x3FB9]  }
0x3d: {  	_ =	shalt  }
0x3e: {  	_ =	shalt  }
0x3f: {  	_ =	shalt  }
0x40: {  	_ =	shalt  }
0x41: {  	_ =	shalt  }
0x42: {  	_ =	shalt  }
0x43: {  	_ =	shalt  }
0x44: {  	_ =	shalt  }
0x45: {  	_ =	shalt  }
0x46: {  	_ =	shalt  }
0x47: {  	_ =	shalt  }
0x48: {  	_ =	shalt  }
0x49: {  	_ =	shalt  }
0x4a: {  	_ =	shalt  }
0x4b: {  	_ =	shalt  }
0x4c: {  	_ =	shalt  }
0x4d: {  	_ =	shalt  }
0x4e: {  	_ =	shalt  }
0x4f: {  	_ =	shalt  }
0x50: {  	_ =	shalt  }
0x51: {  	_ =	shalt  }
0x52: {  	_ =	shalt  }
0x53: {  	_ =	shalt  }
0x54: {  	_ =	shalt  }
0x55: {  	_ =	shalt  }
0x56: {  	_ =	shalt  }
0x57: {  	_ =	shalt  }
0x58: {  	_ =	shalt  }
0x59: {  	_ =	shalt  }
0x5a: {  	_ =	shalt  }
0x5b: {  	_ =	shalt  }
0x5c: {  	_ =	shalt  }
0x5d: {  	_ =	shalt  }
0x5e: {  	_ =	shalt  }
0x5f: {  	_ =	shalt  }
0x60: {  	_ =	shalt  }
0x61: {  	_ =	shalt  }
0x62: {  	_ =	shalt  }
0x63: {  	_ =	shalt  }
0x64: {  	_ =	shalt  }
0x65: {  	_ =	shalt  }
0x66: {  	_ =	shalt  }
0x67: {  	_ =	shalt  }
0x68: {  	_ =	shalt  }
0x69: {  	_ =	shalt  }
0x6a: {  	_ =	shalt  }
0x6b: {  	_ =	shalt  }
0x6c: {  	_ =	shalt  }
0x6d: {  	_ =	shalt  }
0x6e: {  	_ =	shalt  }
0x6f: {  	_ =	shalt  }
0x70: {  	_ =	shalt  }
0x71: {  	_ =	shalt  }
0x72: {  	_ =	shalt  }
0x73: {  	_ =	shalt  }
0x74: {  	_ =	shalt  }
0x75: {  	_ =	shalt  }
0x76: {  	_ =	shalt  }
0x77: {  	_ =	shalt  }
0x78: {  	_ =	shalt  }
0x79: {  	_ =	shalt  }
0x7a: {  	_ =	shalt  }
0x7b: {  	_ =	shalt  }
0x7c: {  	_ =	shalt  }
0x7d: {  	_ =	shalt  }
0x7e: {  	_ =	shalt  }
0x7f: {  	_ =	shalt  }
0x80: {  	_ =	shalt  }
0x81: {  	_ =	shalt  }
0x82: {  	_ =	shalt  }
0x83: {  	_ =	shalt  }
0x84: {  	_ =	shalt  }
0x85: {  	_ =	shalt  }
0x86: {  	_ =	shalt  }
0x87: {  	_ =	shalt  }
.Lfunc_end0:
.L_simem_size_0:
called_computation_lowered:
.L_overlay_start_0:
0x88: {  	s2 =	sld [smem:$0x3FD9]  }
0x89: {  	s3 =	sld [smem:$0x3FFE];
	_ =	sdelay $0x1  }
0x8a: {  	s1 =	srdreg.scid  }
0x8b: {  	s0 =	sand.u32 $0x1, s1  }
0x8c: {  	s17 =	sshll.u32 s0, $0xA;
	s2 =	sadd.s32 s3, s2  }
0x8d: {  	s2 =	sadd.s32 s2, s17  }
0x8e: {  	[smem:$0x3FC5] =	sst s2  }
0x8f: {  	_ = 	snop  }
0x90: {  	s2 =	sld [smem:$0x3FC9]  }
0x91: {  	s18 =	sld [smem:$0x3FC7]  }
0x92: {  	s4 =	sld [smem:$0x3FD0];
	(tm) =	ssettm $0x1  }
0x93: {  	s5 =	sld [smem:$0x3FFB];
	_ =	sdelay $0x3  }
0x94: {  	_ =	strace s5  }
0x95: {  	s5 =	sld [smem:$0x3FFC];
	_ =	sdelay $0x3  }
0x96: {  	_ =	strace s5  }
0x97: {  	s5 =	sld [smem:$0x3FFD];
	_ =	sdelay $0x3  }
0x98: {  	_ =	strace s5  }
0x99: {  	_ =	strace $0x8FFFFFFF  }
0x9a: {  	s19 =	sld [smem:$0x3FDB];
	_ =	sdelay $0x1  }
0x9b: {  	s6 =	simm.s32 $_scs_section_size  }
0x9c: {  	s7 =	simm.s32 $_size__tile_overlayer_lowered;
	s8 =	simm.s32 $_tile_overlayer_lowered  }
0x9d: {  	s22 =	simm.s32 $0x1BFF;
	s21 =	sshll.u32 s8, $0x1;
	s5 =	sadd.s32 s6, s19  }
0x9e: {  	s9 =	simm.s32 $0x0;
	s20 =	sshll.u32 s7, $0x1;
	s7 =	sadd.s32 s21, s5  }
0x9f: {  	[timem:s9], [sflag:s22] =	dma.local [hbm:s7], s20  }
0xa0: {  	_ =	swait.ge [sflag:s22], s20  }
0xa1: {  	s6 =	ssub.s32 $0x0, s20;
	[sflag:s22] =	ssyncset.done $0x0  }
0xa2: {  	[sflag:s22] =	ssyncadd.s32 s6;
	_ =	sdelay $0x1  }
0xa3: {  	s23 =	simm.s32 $0x1B8B  }
0xa4: {  	_ =	swait.ge [sflag:s23], $0x1  }
0xa5: {  	[sflag:s23] =	ssyncset.done $0x0  }
0xa6: {  	s25 =	simm.s32 $0x1B8E;
	s24 =	sld [smem:$0x3FFE];
	[sflag:s23] =	ssyncadd.s32 $0xFFFFFFFF  }
0xa7: {  	s26 =	simm.s32 $execute0_lowered;
	[smem:$0x3FD2] =	sst s25  }
0xa8: {  	s7 =	sshll.u32 s26, $0x1;
	_ =	strace $0x80000046;
	[dreg:$0x1] =	wrdreg $0xFFFFFFFF  }
0xa9: {  	s28 =	simm.s32 $_size_execute0_lowered;
	s5 =	sadd.s32 s5, s7;
	[dreg:$0x0] =	wrdreg $0x0  }
0xaa: {  	s7 =	sshll.u32 s28, $0x1;
	[dreg:$0x2] =	wrdreg s5  }
0xab: {  	[dreg:$0x3] =	wrdreg s7  }
0xac: {  	[dreg:$0x4] =	wrdreg $0xC0  }
0xad: {  	_ =	task [dreg:s9], $0x5FFFF  }
0xae: {  	[dreg:$0x1] =	wrdreg $0xFFFFFFFF  }
0xaf: {  	[dreg:$0x0] =	wrdreg $0x60  }
0xb0: {  	[dreg:$0x2] =	wrdreg s2  }
0xb1: {  	[dreg:$0x3] =	wrdreg s24  }
0xb2: {  	[dreg:$0x4] =	wrdreg s18  }
0xb3: {  	[dreg:$0x5] =	wrdreg s4  }
0xb4: {  	[dreg:$0x6] =	wrdreg $0xA8000  }
0xb5: {  	[dreg:$0x7] =	wrdreg $0x9  }
0xb6: {  	_ =	task.clear_ibuf [dreg:s9], $0x8FFFF;
	_ =	strace $0x90000046  }
0xb7: {  	s29 =	simm.s32 $0x9;
	_ =	strace $0x80000048  }
0xb8: {  	_ =	swait.ge [sflag:s29], $0x1  }
0xb9: {  	[sflag:s29] =	ssyncadd.s32 $0xFFFFFFFF  }
0xba: {  	_ =	strace $0x90000048  }
0xbb: {  	_ =	sfence  }
0xbc: {  	s30 =	sld [smem:$0x0];
	_ =	sdelay $0x2  }
0xbd: {  	s31 =	sshll.u32 s1, $0xD;
	s1 =	sshrl.u32 s1, $0x2  }
0xbe: {  	s3 =	sand.u32 $0x4000, s31;
	s1 =	sadd.s32 s1, s30  }
0xbf: {  	s0 =	sor.u32 s3, s0;
	s1 =	sshll.u32 s1, $0x11  }
0xc0: {  	s0 =	sor.u32 s1, s0  }
0xc1: {  	s0 =	sadd.s32 $0x8F2B, s0  }
0xc2: {  	[sflag:s0] =	ssyncadd.remote.s32 $0x1  }
0xc3: {  	_ =	sfence.sel $0xFFFF  }
0xc4: {  	[dreg:$0x0] =	wrdreg $0xFFFFFFFF;
	(pc) =	sbr.abs _section_cstart, $3  }
0xc5: {  	[dreg:$0x1] =	wrdreg $0xFFFFFFFF  }
0xc6: {  	_ =	task.clear_ibuf [dreg:s9], $0x2FFFF;
	_ =	strace $0x9FFFFFFF  }
0xc7: {  	(tm) =	ssettm $0x7FFFFFFF  }
tec
execute0_lowered:
.L_overlay_start_1:
0x0: {  	(tag) =	ssettag $0x1  }
0x1: {  	s1 =	rddreg [dreg:$0x0]  }
0x2: {  	s6 =	rddreg [dreg:$0x1]  }
0x3: {  	s2 =	rddreg [dreg:$0x2]  }
0x4: {  	s3 =	srdreg.scid;
	s11 =	rddreg [dreg:$0x3]  }
0x5: {  	s0 =	stileid.u32;
	s4 =	rddreg [dreg:$0x4];
	s5 =	simm.s32 $0x0  }
0x6: {  	s16 =	simm.s32 $0x1;
	s17 =	simm.s32 $0x7D;
	s18 =	simm.s32 $0x2800  }
0x7: {  	s19 =	simm.s32 $0x6800;
	s20 =	simm.s32 $0x2;
	s21 =	simm.s32 $0x3  }
0x8: {  	s22 =	simm.s32 $0x1380;
	s23 =	simm.s32 $0x2700;
	s24 =	simm.s32 $0x2780  }
0x9: {  	s25 =	simm.s32 $0x0;
	s7 =	sand.u32 $0x1, s3;
	s30 =	smul.u32 $0x4F000, s0  }
0xa: {  	s28 =	sshll.u32 s0, $0x1;
	s3 =	rddreg [dreg:$0x5];
	s13 =	smul.u32 $0x2780, s0  }
0xb: {  	[smem:$0x7FF] =	sst s5;
	s8 =	sor.u32 s7, s28;
	s14 =	smul.u32 $0x27800, s7  }
0xc: {  	s31 =	sshll.u32 s0, $0x6;
	s9 =	ssub.s32 $0x2, s7;
	s8 =	smul.u32 $0x2800, s8  }
0xd: {  	_ =	strace $0x80000047;
	s29 =	sshrl.u32 s9, $0x1;
	s13 =	sadd.s32 s13, s14  }
0xe: {  	s12 =	ssub.s32 s9, s29;
	s8 =	sshrl.u32 s8, $0x3;
	s11 =	sadd.s32 s11, s13  }
0xf: {  	s12 =	smax.u32 s12, $0x1;
	s13 =	simm.s32 $0x1400;
	s10 =	sadd.s32 s8, s6  }
0x10: {  	s8 =	sshrl.u32 s30, $0x2;
	s6 =	sadd.s32 $0x400, s10;
	s7 =	sadd.s32 $0xA400, s10  }
0x11: {  	s15 =	sadd.s32 s8, s4;
	s8 =	sor.u32 $0x1C04, s31;
	s9 =	sadd.s32 $0x680, s10  }
0x12: {  	s10 =	sadd.s32 $0xA680, s10;
	s14 =	sshrl.u32 s15, $0x3;
	s15 =	simm.s32 $0x4  }
.LBB2_1:
0x13: {  	[tilespmem:s5], [sflag:$0x1] =	stream.linear.gather [hbm4b:s6+s5], $0x1400, $0x38;
	[tilespmem:$0x1E400] =	vst v63  }
0x14: {  	_ = 	snop  }
0x15: {  	[tilespmem:s13], [sflag:$0x1] =	stream.linear.gather [hbm4b:s7+s5], $0x1400, $0x38;
	[tilespmem:$0x1E400] =	vst v63  }
0x16: {  	[spmem:s14], [sflag:s8] =	dma.local [hbm:s2], $0x2780  }
0x17: {  	_ =	swait.ge [sflag:s15], $0x2780  }
0x18: {  	[sflag:s15] =	ssyncset.done $0x0  }
0x19: {  	[sflag:s15] =	ssyncadd.s32 $0xFFFFD880  }
0x1a: {  	_ =	swait.ge [sflag:s16], $0x1400  }
0x1b: {  	[sflag:s16] =	ssyncset.done $0x0  }
0x1c: {  	[sflag:s16] =	ssyncadd.s32 $0xFFFFEC00  }
0x1d: {  	_ =	swait.ge [sflag:s16], $0x1400  }
0x1e: {  	[sflag:s16] =	ssyncset.done $0x0  }
0x1f: {  	[sflag:s16] =	ssyncadd.s32 $0xFFFFEC00  }
0x20: {  	[bflag:$0x0] =	sbarrier.arrive $0xFFFF  }
0x21: {  	[tilespmem:s18], [sflag:$0x2] =	stream.indirect.gather [hbm4b:s1+s17], $0x80, s5, s17, $0xb8;
	[tilespmem:$0x1E400] =	vst v63  }
0x22: {  	s26 =	simm.s32 $0x80  }
0x23: {  	[tilespmem:s19], [sflag:$0x3] =	stream.indirect.gather [hbm4b:s1+s17], $0x80, s26, s17, $0xb8;
	[tilespmem:$0x1E400] =	vst v63  }
0x24: {  	_ =	swait.ge [sflag:s20], $0x3E80  }
0x25: {  	[sflag:s20] =	ssyncset.done $0x0  }
0x26: {  	s29 =	simm.s32 $0x1400;
	[sflag:s20] =	ssyncadd.s32 $0xFFFFC180  }
0x27: {  	[spmem:s4] =	stream.indirect.scatter.add.f32 [tilespmem:s18], [sflag:$0x4], $0x80, s29, s17, $0xb8;
	[tilespmem:$0x1E400] =	vst v63  }
0x28: {  	_ =	swait.ge [sflag:s15], $0x3E80  }
0x29: {  	[sflag:s15] =	ssyncset.done $0x0  }
0x2a: {  	s30 =	simm.s32 $0x100;
	[sflag:s15] =	ssyncadd.s32 $0xFFFFC180  }
0x2b: {  	[tilespmem:s18], [sflag:$0x2] =	stream.indirect.gather [hbm4b:s1+s17], $0x80, s30, s17, $0xb8;
	[tilespmem:$0x1E400] =	vst v63  }
0x2c: {  	_ =	swait.ge [sflag:s21], $0x3E80  }
0x2d: {  	[sflag:s21] =	ssyncset.done $0x0  }
0x2e: {  	s31 =	simm.s32 $0x1480;
	[sflag:s21] =	ssyncadd.s32 $0xFFFFC180  }
0x2f: {  	[spmem:s4] =	stream.indirect.scatter.add.f32 [tilespmem:s19], [sflag:$0x4], $0x80, s31, s17, $0xb8;
	[tilespmem:$0x1E400] =	vst v63  }
0x30: {  	_ =	swait.ge [sflag:s15], $0x3E80  }
0x31: {  	s28 =	simm.s32 $0x800;
	s26 =	simm.s32 $0x100;
	[sflag:s15] =	ssyncset.done $0x0  }
.LBB2_2:
0x32: {  	s29 =	sadd.s32 $0x80, s26  }
0x33: {  	[sflag:s15] =	ssyncadd.s32 $0xFFFFC180;
	s30 =	smov.u32 s28;
	s31 =	sadd.s32 $0x400, s28  }
0x34: {  	[tilespmem:s19], [sflag:$0x3] =	stream.indirect.gather [hbm4b:s1+s17], $0x80, s29, s17, $0xb8;
	[tilespmem:$0x1E400] =	vst v63  }
0x35: {  	p0 =	sne.s32 s28, $0x4800;
	_ =	swait.ge [sflag:s20], $0x3E80  }
0x36: {  	[sflag:s20] =	ssyncset.done $0x0  }
0x37: {  	s28 =	sadd.s32 $0x1400, s26;
	[sflag:s20] =	ssyncadd.s32 $0xFFFFC180  }
0x38: {  	[spmem:s4] =	stream.indirect.scatter.add.f32 [tilespmem:s18], [sflag:$0x4], $0x80, s28, s17, $0xb8;
	[tilespmem:$0x1E400] =	vst v63  }
0x39: {  	_ =	swait.ge [sflag:s15], $0x3E80  }
0x3a: {  	[sflag:s15] =	ssyncset.done $0x0  }
0x3b: {  	s28 =	sadd.s32 $0x100, s26;
	[sflag:s15] =	ssyncadd.s32 $0xFFFFC180  }
0x3c: {  	[tilespmem:s18], [sflag:$0x2] =	stream.indirect.gather [hbm4b:s1+s17], $0x80, s28, s17, $0xb8;
	[tilespmem:$0x1E400] =	vst v63  }
0x3d: {  	_ =	swait.ge [sflag:s21], $0x3E80  }
.Ltmp0:
0x3e: {  	[sflag:s21] =	ssyncset.done $0x0;
	(pc) =	sbr.rel @p0 .LBB2_2-.Ltmp0, $4  }
0x3f: {  	s26 =	sadd.s32 $0x1480, s26;
	[sflag:s21] =	ssyncadd.s32 $0xFFFFC180  }
0x40: {  	[spmem:s4] =	stream.indirect.scatter.add.f32 [tilespmem:s19], [sflag:$0x4], $0x80, s26, s17, $0xb8;
	[tilespmem:$0x1E400] =	vst v63  }
0x41: {  	_ =	swait.ge [sflag:s15], $0x3E80  }
0x42: {  	s28 =	smov.u32 s31;
	s26 =	sshra.s32 s30, $0x2;
	[sflag:s15] =	ssyncset.done $0x0  }
0x43: {  	s28 =	sadd.s32 $0x80, s26;
	[sflag:s15] =	ssyncadd.s32 $0xFFFFC180  }
0x44: {  	[tilespmem:s19], [sflag:$0x3] =	stream.indirect.gather [hbm4b:s1+s17], $0x80, s28, s17, $0xb8;
	[tilespmem:$0x1E400] =	vst v63  }
0x45: {  	_ =	swait.ge [sflag:s20], $0x3E80  }
0x46: {  	[sflag:s20] =	ssyncset.done $0x0  }
0x47: {  	s28 =	sadd.s32 $0x1400, s26;
	[sflag:s20] =	ssyncadd.s32 $0xFFFFC180  }
0x48: {  	[spmem:s4] =	stream.indirect.scatter.add.f32 [tilespmem:s18], [sflag:$0x4], $0x80, s28, s17, $0xb8;
	[tilespmem:$0x1E400] =	vst v63  }
0x49: {  	_ =	swait.ge [sflag:s15], $0x3E80  }
0x4a: {  	[sflag:s15] =	ssyncset.done $0x0  }
0x4b: {  	s28 =	sadd.s32 $0x100, s26;
	[sflag:s15] =	ssyncadd.s32 $0xFFFFC180  }
0x4c: {  	[tilespmem:s18], [sflag:$0x2] =	stream.indirect.gather [hbm4b:s1+s17], $0x80, s28, s17, $0xb8;
	[tilespmem:$0x1E400] =	vst v63  }
0x4d: {  	_ =	swait.ge [sflag:s21], $0x3E80  }
0x4e: {  	[sflag:s21] =	ssyncset.done $0x0  }
0x4f: {  	s29 =	sadd.s32 $0x1480, s26;
	[sflag:s21] =	ssyncadd.s32 $0xFFFFC180  }
0x50: {  	[spmem:s4] =	stream.indirect.scatter.add.f32 [tilespmem:s19], [sflag:$0x4], $0x80, s29, s17, $0xb8;
	[tilespmem:$0x1E400] =	vst v63  }
0x51: {  	_ =	swait.ge [sflag:s15], $0x3E80  }
0x52: {  	[sflag:s15] =	ssyncset.done $0x0  }
0x53: {  	[sflag:s15] =	ssyncadd.s32 $0xFFFFC180  }
0x54: {  	[tilespmem:s19], [sflag:$0x3] =	stream.indirect.gather [hbm4b:s1+s17], $0x80, s22, s17, $0xb8;
	[tilespmem:$0x1E400] =	vst v63  }
0x55: {  	_ =	swait.ge [sflag:s20], $0x3E80  }
0x56: {  	[sflag:s20] =	ssyncset.done $0x0  }
0x57: {  	[sflag:s20] =	ssyncadd.s32 $0xFFFFC180  }
0x58: {  	[spmem:s4] =	stream.indirect.scatter.add.f32 [tilespmem:s18], [sflag:$0x4], $0x80, s23, s17, $0xb8;
	[tilespmem:$0x1E400] =	vst v63  }
0x59: {  	_ =	swait.ge [sflag:s15], $0x3E80  }
0x5a: {  	[sflag:s15] =	ssyncset.done $0x0  }
0x5b: {  	[sflag:s15] =	ssyncadd.s32 $0xFFFFC180  }
0x5c: {  	_ =	swait.ge [sflag:s21], $0x3E80  }
0x5d: {  	[sflag:s21] =	ssyncset.done $0x0  }
0x5e: {  	[sflag:s21] =	ssyncadd.s32 $0xFFFFC180  }
0x5f: {  	[spmem:s4] =	stream.indirect.scatter.add.f32 [tilespmem:s19], [sflag:$0x4], $0x80, s24, s17, $0xb8;
	[tilespmem:$0x1E400] =	vst v63  }
0x60: {  	_ =	swait.ge [sflag:s15], $0x3E80  }
0x61: {  	[sflag:s15] =	ssyncset.done $0x0  }
0x62: {  	s30 =	simm.s32 $0x0;
	[sflag:s15] =	ssyncadd.s32 $0xFFFFC180  }
0x63: {  	[tilespmem:s30], [sflag:$0x1] =	stream.linear.gather [hbm4b:s9+s30], $0x1400, $0x38;
	[tilespmem:$0x1E400] =	vst v63  }
0x64: {  	_ = 	snop  }
0x65: {  	[tilespmem:s13], [sflag:$0x1] =	stream.linear.gather [hbm4b:s10+s30], $0x1400, $0x38;
	[tilespmem:$0x1E400] =	vst v63  }
0x66: {  	_ =	swait.ge [sflag:s16], $0x1400  }
0x67: {  	[sflag:s16] =	ssyncset.done $0x0  }
0x68: {  	[sflag:s16] =	ssyncadd.s32 $0xFFFFEC00  }
0x69: {  	_ =	swait.ge [sflag:s16], $0x1400  }
0x6a: {  	[sflag:s16] =	ssyncset.done $0x0  }
0x6b: {  	[sflag:s16] =	ssyncadd.s32 $0xFFFFEC00  }
0x6c: {  	[tilespmem:s18], [sflag:$0x2] =	stream.indirect.gather [hbm4b:s1+s17], $0x80, s30, s17, $0xb8;
	[tilespmem:$0x1E400] =	vst v63  }
0x6d: {  	s31 =	simm.s32 $0x80  }
0x6e: {  	[tilespmem:s19], [sflag:$0x3] =	stream.indirect.gather [hbm4b:s1+s17], $0x80, s31, s17, $0xb8;
	[tilespmem:$0x1E400] =	vst v63  }
0x6f: {  	_ =	swait.ge [sflag:s20], $0x3E80  }
0x70: {  	[sflag:s20] =	ssyncset.done $0x0  }
0x71: {  	s29 =	simm.s32 $0x1400;
	[sflag:s20] =	ssyncadd.s32 $0xFFFFC180  }
0x72: {  	[spmem:s4] =	stream.indirect.scatter.add.f32 [tilespmem:s18], [sflag:$0x4], $0x80, s29, s17, $0xb8;
	[tilespmem:$0x1E400] =	vst v63  }
0x73: {  	_ =	swait.ge [sflag:s15], $0x3E80  }
0x74: {  	[sflag:s15] =	ssyncset.done $0x0  }
0x75: {  	s30 =	simm.s32 $0x100;
	[sflag:s15] =	ssyncadd.s32 $0xFFFFC180  }
0x76: {  	[tilespmem:s18], [sflag:$0x2] =	stream.indirect.gather [hbm4b:s1+s17], $0x80, s30, s17, $0xb8;
	[tilespmem:$0x1E400] =	vst v63  }
0x77: {  	_ =	swait.ge [sflag:s21], $0x3E80  }
0x78: {  	[sflag:s21] =	ssyncset.done $0x0  }
0x79: {  	s31 =	simm.s32 $0x1480;
	[sflag:s21] =	ssyncadd.s32 $0xFFFFC180  }
0x7a: {  	[spmem:s4] =	stream.indirect.scatter.add.f32 [tilespmem:s19], [sflag:$0x4], $0x80, s31, s17, $0xb8;
	[tilespmem:$0x1E400] =	vst v63  }
0x7b: {  	_ =	swait.ge [sflag:s15], $0x3E80  }
0x7c: {  	s26 =	simm.s32 $0x100;
	s28 =	simm.s32 $0x800;
	[sflag:s15] =	ssyncset.done $0x0  }
.LBB2_4:
0x7d: {  	s29 =	sadd.s32 $0x80, s26  }
0x7e: {  	[sflag:s15] =	ssyncadd.s32 $0xFFFFC180;
	s30 =	smov.u32 s28;
	s31 =	sadd.s32 $0x400, s28  }
0x7f: {  	[tilespmem:s19], [sflag:$0x3] =	stream.indirect.gather [hbm4b:s1+s17], $0x80, s29, s17, $0xb8;
	[tilespmem:$0x1E400] =	vst v63  }
0x80: {  	p0 =	sne.s32 s28, $0x4800;
	_ =	swait.ge [sflag:s20], $0x3E80  }
0x81: {  	[sflag:s20] =	ssyncset.done $0x0  }
0x82: {  	s28 =	sadd.s32 $0x1400, s26;
	[sflag:s20] =	ssyncadd.s32 $0xFFFFC180  }
0x83: {  	[spmem:s4] =	stream.indirect.scatter.add.f32 [tilespmem:s18], [sflag:$0x4], $0x80, s28, s17, $0xb8;
	[tilespmem:$0x1E400] =	vst v63  }
0x84: {  	_ =	swait.ge [sflag:s15], $0x3E80  }
0x85: {  	[sflag:s15] =	ssyncset.done $0x0  }
0x86: {  	s28 =	sadd.s32 $0x100, s26;
	[sflag:s15] =	ssyncadd.s32 $0xFFFFC180  }
0x87: {  	[tilespmem:s18], [sflag:$0x2] =	stream.indirect.gather [hbm4b:s1+s17], $0x80, s28, s17, $0xb8;
	[tilespmem:$0x1E400] =	vst v63  }
0x88: {  	_ =	swait.ge [sflag:s21], $0x3E80  }
.Ltmp1:
0x89: {  	[sflag:s21] =	ssyncset.done $0x0;
	(pc) =	sbr.rel @p0 .LBB2_4-.Ltmp1, $4  }
0x8a: {  	s26 =	sadd.s32 $0x1480, s26;
	[sflag:s21] =	ssyncadd.s32 $0xFFFFC180  }
0x8b: {  	[spmem:s4] =	stream.indirect.scatter.add.f32 [tilespmem:s19], [sflag:$0x4], $0x80, s26, s17, $0xb8;
	[tilespmem:$0x1E400] =	vst v63  }
0x8c: {  	_ =	swait.ge [sflag:s15], $0x3E80  }
0x8d: {  	s28 =	smov.u32 s31;
	s26 =	sshra.s32 s30, $0x2;
	[sflag:s15] =	ssyncset.done $0x0  }
0x8e: {  	s28 =	sadd.s32 $0x80, s26;
	[sflag:s15] =	ssyncadd.s32 $0xFFFFC180  }
0x8f: {  	[tilespmem:s19], [sflag:$0x3] =	stream.indirect.gather [hbm4b:s1+s17], $0x80, s28, s17, $0xb8;
	[tilespmem:$0x1E400] =	vst v63  }
0x90: {  	_ =	swait.ge [sflag:s20], $0x3E80  }
0x91: {  	[sflag:s20] =	ssyncset.done $0x0  }
0x92: {  	s29 =	sadd.s32 $0x1400, s26;
	[sflag:s20] =	ssyncadd.s32 $0xFFFFC180  }
0x93: {  	[spmem:s4] =	stream.indirect.scatter.add.f32 [tilespmem:s18], [sflag:$0x4], $0x80, s29, s17, $0xb8;
	[tilespmem:$0x1E400] =	vst v63  }
0x94: {  	_ =	swait.ge [sflag:s15], $0x3E80  }
0x95: {  	[sflag:s15] =	ssyncset.done $0x0  }
0x96: {  	s30 =	sadd.s32 $0x100, s26;
	[sflag:s15] =	ssyncadd.s32 $0xFFFFC180  }
0x97: {  	[tilespmem:s18], [sflag:$0x2] =	stream.indirect.gather [hbm4b:s1+s17], $0x80, s30, s17, $0xb8;
	[tilespmem:$0x1E400] =	vst v63  }
0x98: {  	_ =	swait.ge [sflag:s21], $0x3E80  }
0x99: {  	[sflag:s21] =	ssyncset.done $0x0  }
0x9a: {  	s31 =	sadd.s32 $0x1480, s26;
	[sflag:s21] =	ssyncadd.s32 $0xFFFFC180  }
0x9b: {  	[spmem:s4] =	stream.indirect.scatter.add.f32 [tilespmem:s19], [sflag:$0x4], $0x80, s31, s17, $0xb8;
	[tilespmem:$0x1E400] =	vst v63  }
0x9c: {  	_ =	swait.ge [sflag:s15], $0x3E80  }
0x9d: {  	[sflag:s15] =	ssyncset.done $0x0  }
0x9e: {  	[sflag:s15] =	ssyncadd.s32 $0xFFFFC180  }
0x9f: {  	[tilespmem:s19], [sflag:$0x3] =	stream.indirect.gather [hbm4b:s1+s17], $0x80, s22, s17, $0xb8;
	[tilespmem:$0x1E400] =	vst v63  }
0xa0: {  	_ =	swait.ge [sflag:s20], $0x3E80  }
0xa1: {  	[sflag:s20] =	ssyncset.done $0x0  }
0xa2: {  	[sflag:s20] =	ssyncadd.s32 $0xFFFFC180  }
0xa3: {  	[spmem:s4] =	stream.indirect.scatter.add.f32 [tilespmem:s18], [sflag:$0x4], $0x80, s23, s17, $0xb8;
	[tilespmem:$0x1E400] =	vst v63  }
0xa4: {  	_ =	swait.ge [sflag:s15], $0x3E80  }
0xa5: {  	[sflag:s15] =	ssyncset.done $0x0  }
0xa6: {  	[sflag:s15] =	ssyncadd.s32 $0xFFFFC180  }
0xa7: {  	_ =	swait.ge [sflag:s21], $0x3E80  }
0xa8: {  	[sflag:s21] =	ssyncset.done $0x0  }
0xa9: {  	[sflag:s21] =	ssyncadd.s32 $0xFFFFC180  }
0xaa: {  	[spmem:s4] =	stream.indirect.scatter.add.f32 [tilespmem:s19], [sflag:$0x4], $0x80, s24, s17, $0xb8;
	[tilespmem:$0x1E400] =	vst v63  }
0xab: {  	_ =	swait.ge [sflag:s15], $0x3E80  }
0xac: {  	s25 =	sadd.s32 $0x1, s25;
	[sflag:s15] =	ssyncset.done $0x0  }
0xad: {  	p0 =	sne.s32 s25, s12;
	[sflag:s15] =	ssyncadd.s32 $0xFFFFC180  }
.Ltmp2:
0xae: {  	[bflag:$0x0] =	sbarrier.arrive $0xFFFF;
	(pc) =	sbr.rel @p0 .LBB2_1-.Ltmp2, $4  }
0xaf: {  	[hbm:s11], [sflag:s8] =	dma.local [spmem:s14], $0x2780  }
0xb0: {  	_ =	swait.ge [sflag:s15], $0x2780  }
0xb1: {  	[sflag:s15] =	ssyncset.done $0x0  }
0xb2: {  	[sflag:s15] =	ssyncadd.s32 $0xFFFFD880  }
0xb3: {  	_ =	sfence.sel $0x180000  }
0xb4: {  	[bflag:$0x0] =	sbarrier.arrive $0xFFFF  }
0xb5: {  	p0 =	sne.s32 s0, $0x0;
	_ =	strace $0x90000047  }
0xb6: {  	s0 =	sadd.s32 @!p0 $0x100000, s3;
	[bflag:$0x2] =	sbarrier.arrive $0xFFFF  }
0xb7: {  	[sflag:s0] =	ssyncadd.tile.s32 @!p0 $0x1;
	_ =	shalt  }
.Lfunc_end2:
_tile_overlayer_lowered:
.L_overlay_start_2:
0xb8: {  	(tag) =	ssettag $0x2  }
0xb9: {  	s0 =	rddreg [dreg:$0x0];
	s2 =	stileid.u32  }
0xba: {  	s1 =	rddreg [dreg:$0x1];
	p0 =	sne.s32 s2, $0x0  }
0xbb: {  	s3 =	rddreg [dreg:$0x2];
	[bflag:$0x3] =	sbarrier.arrive $0xFFFF;
	s2 =	simm.s32 @!p0 $0x1C04  }
0xbc: {  	[timem:s3], [sflag:s2] =	dma.local @!p0 [hbm:s0], s1  }
0xbd: {  	s0 =	simm.s32 @!p0 $0x4  }
0xbe: {  	_ =	swait.ge @!p0 [sflag:s0], s1  }
0xbf: {  	s1 =	ssub.s32 @!p0 $0x0, s1;
	[sflag:s0] =	ssyncset.done @!p0 $0x0  }
0xc0: {  	[sflag:s0] =	ssyncadd.s32 @!p0 s1  }
0xc1: {  	[bflag:$0x3] =	sbarrier.arrive $0xFFFF  }
0xc2: {  	_ =	shalt  }

</sc_bundles>
